<compile_context>
chip_gen: v7x
topology: tpu7x:2x2x1
jax: 0.10.2.dev20260603
libtpu: 0.0.44.dev20260713+nightly
codegen_flags: <defaults>
</compile_context>

<pallas_src>
import jax
import jax.numpy as jnp
from jax.experimental import pallas as pl
from jax.experimental.pallas import tpu as pltpu

B = 16
C = 256
T = 336
OUT = 96
K = 8
L = 2
DFF = 1024
EPS = 1e-5

V = 8
NB = C // V + (K - 1)
R = V * B


def _expert_block(expert_sref, ids_sref, x_ref, g_ref, bt_ref,
                  W1_ref, b1_ref, W2_ref, b2_ref, Wout_ref, bout_ref,
                  out_ref, zs_ref):
    i = pl.program_id(0)
    for j in range(V):
        v = ids_sref[i, j]
        zs_ref[j] = x_ref[v]
    z3 = zs_ref[...]
    mu = jnp.mean(z3, axis=2, keepdims=True)
    sd = jnp.sqrt(jnp.mean((z3 - mu) ** 2, axis=2, keepdims=True))
    g3 = g_ref[0, 0, :][:, None, None]
    bt3 = bt_ref[0, 0, :][:, None, None]
    xn = (z3 - mu) / (sd + EPS) * g3 + bt3
    z = xn.reshape(R, T)
    for l in range(L):
        h = jnp.dot(z.astype(jnp.bfloat16), W1_ref[0, l],
                    preferred_element_type=jnp.float32)
        h = jnp.maximum(h + b1_ref[0, l][None, :], 0.0)
        z = z + jnp.dot(h.astype(jnp.bfloat16), W2_ref[0, l],
                        preferred_element_type=jnp.float32) \
              + b2_ref[0, l][None, :]
    y = jnp.dot(z.astype(jnp.bfloat16), Wout_ref[0],
                preferred_element_type=jnp.float32) \
        + bout_ref[0, 0][None, :]
    y3 = y.reshape(V, B, OUT)
    o3 = (y3 - bt3) / (g3 + EPS * EPS) * (sd + EPS) + mu
    for j in range(V):
        v = ids_sref[i, j]
        out_ref[v] = o3[j]


def kernel(x, gamma, beta, var_emb, centroids, W1, b1, W2, b2, Wout, bout):
    d2 = jnp.sum((var_emb[:, None, :] - centroids[None, :, :]) ** 2, axis=-1)
    assign = jnp.argmin(d2, axis=1).astype(jnp.int32)
    order = jnp.argsort(assign, stable=True).astype(jnp.int32)
    counts = jnp.zeros((K,), jnp.int32).at[assign].add(1)
    offsets = jnp.concatenate([jnp.zeros((1,), jnp.int32),
                               jnp.cumsum(counts)[:-1].astype(jnp.int32)])
    padded = ((counts + V - 1) // V) * V
    pcum = jnp.cumsum(padded).astype(jnp.int32)
    total = pcum[K - 1]
    s = jnp.arange(NB * V, dtype=jnp.int32)
    j = jnp.searchsorted(pcum, s, side='right').astype(jnp.int32)
    valid = s < total
    jc = jnp.clip(j, 0, K - 1)
    q = s - (pcum[jc] - padded[jc])
    rq = jnp.minimum(q, counts[jc] - 1)
    slot_v = order[offsets[jc] + rq]
    slot_v = jnp.where(valid, slot_v, order[0])
    slot_e = jnp.where(valid, jc, assign[order[0]])
    ids = slot_v.reshape(NB, V)
    block_expert = slot_e.reshape(NB, V)[:, 0]

    x2 = jnp.transpose(x, (1, 0, 2))
    gvals = gamma[slot_v].reshape(NB, 1, V)
    bvals = beta[slot_v].reshape(NB, 1, V)
    bout3 = bout.reshape(K, 1, OUT)
    W1 = W1.astype(jnp.bfloat16)
    W2 = W2.astype(jnp.bfloat16)
    Wout = Wout.astype(jnp.bfloat16)

    grid_spec = pltpu.PrefetchScalarGridSpec(
        num_scalar_prefetch=2,
        grid=(NB,),
        in_specs=[
            pl.BlockSpec((C, B, T), lambda i, e, ids: (0, 0, 0)),
            pl.BlockSpec((1, 1, V), lambda i, e, ids: (i, 0, 0)),
            pl.BlockSpec((1, 1, V), lambda i, e, ids: (i, 0, 0)),
            pl.BlockSpec((1, L, T, DFF), lambda i, e, ids: (e[i], 0, 0, 0)),
            pl.BlockSpec((1, L, DFF), lambda i, e, ids: (e[i], 0, 0)),
            pl.BlockSpec((1, L, DFF, T), lambda i, e, ids: (e[i], 0, 0, 0)),
            pl.BlockSpec((1, L, T), lambda i, e, ids: (e[i], 0, 0)),
            pl.BlockSpec((1, T, OUT), lambda i, e, ids: (e[i], 0, 0)),
            pl.BlockSpec((1, 1, OUT), lambda i, e, ids: (e[i], 0, 0)),
        ],
        out_specs=pl.BlockSpec((C, B, OUT), lambda i, e, ids: (0, 0, 0)),
        scratch_shapes=[pltpu.VMEM((V, B, T), jnp.float32)],
    )
    out2 = pl.pallas_call(
        _expert_block,
        grid_spec=grid_spec,
        out_shape=jax.ShapeDtypeStruct((C, B, OUT), jnp.float32),
        compiler_params=pltpu.CompilerParams(
            dimension_semantics=("arbitrary",),
        ),
    )(block_expert, ids, x2, gvals, bvals, W1, b1, W2, b2, Wout, bout3)
    return jnp.transpose(out2, (1, 0, 2))

# --- scband reference (transcript-rebuilt; emitter-appended) ---
"""Pipeline reference for scband-tsmixer-h-14027363189073 (READ-ONLY COPY).

The authoritative reference and input builder live on the scoring server;
editing this copy changes nothing except your own understanding.
"""

import jax, jax.numpy as jnp
import numpy as np

B = 16      # batch_size
C = 256     # n_vars == enc_in (data_dim)
T = 336     # in_len
OUT = 96    # out_len
K = 8       # num_clusters
L = 2       # n_layers
DFF = 1024  # d_ff
DM = 128    # d_model (cluster assigner embedding dim)
EPS = 1e-5


def setup_inputs(seed: int = 0) -> dict:
    key = jax.random.key(seed)
    ks = jax.random.split(key, 8)
    x = jax.random.normal(ks[0], (B, C, T), dtype=jnp.float32)
    # RevIN affine params (num_features = enc_in)
    gamma = jnp.ones((C,), jnp.float32)
    beta = jnp.zeros((C,), jnp.float32)
    # ClusterAssigner: learned variable embeddings + cluster centroids (euclidean hard assignment)
    var_emb = jax.random.normal(ks[1], (C, DM), jnp.float32)
    centroids = jax.random.normal(ks[2], (K, DM), jnp.float32)
    # Per-cluster TSMixerBlock expert params: L layers of time-mixing MLP (T->DFF->T) + head (T->OUT)
    s = 0.02
    W1 = jax.random.normal(ks[3], (K, L, T, DFF), jnp.float32) * s
    b1 = jnp.zeros((K, L, DFF), jnp.float32)
    W2 = jax.random.normal(ks[4], (K, L, DFF, T), jnp.float32) * s
    b2 = jnp.zeros((K, L, T), jnp.float32)
    Wout = jax.random.normal(ks[5], (K, T, OUT), jnp.float32) * s
    bout = jnp.zeros((K, OUT), jnp.float32)
    return {"x": x, "gamma": gamma, "beta": beta, "var_emb": var_emb,
            "centroids": centroids, "W1": W1, "b1": b1, "W2": W2, "b2": b2,
            "Wout": Wout, "bout": bout}


def reference(x, gamma, beta, var_emb, centroids, W1, b1, W2, b2, Wout, bout):
    # RevIN 'norm': per-(batch, variable) instance normalization over time, with affine
    mu = jnp.mean(x, axis=-1, keepdims=True)
    sd = jnp.std(x, axis=-1, keepdims=True)
    xn = (x - mu) / (sd + EPS)
    xn = xn * gamma[None, :, None] + beta[None, :, None]

    # ClusterAssigner: hard (argmin euclidean) assignment of each variable to a cluster
    d2 = jnp.sum((var_emb[:, None, :] - centroids[None, :, :]) ** 2, axis=-1)  # [C, K]
    assign = jnp.argmin(d2, axis=1)  # traced int assignments [C]

    out = jnp.zeros((B, C, OUT), jnp.float32)

    for k in range(K):
        mask = (assign == k)[None, :, None]  # [1, C, 1]
        # run every variable through expert k; per-variable arithmetic is
        # independent along the variable axis, so each assigned variable's
        # result matches the gathered computation exactly
        z = xn  # [B, C, T]
        # expert TSMixerBlock: L residual time-mixing MLP layers
        for l in range(L):
            h = jax.nn.relu(jnp.einsum('bnt,tf->bnf', z, W1[k, l]) + b1[k, l])
            z = z + jnp.einsum('bnf,ft->bnt', h, W2[k, l]) + b2[k, l]
        y = jnp.einsum('bnt,to->bno', z, Wout[k]) + bout[k]  # [B, C, OUT]
        # select this cluster's variables by mask (fixed-shape scatter)
        out = jnp.where(mask, y, out)

    # RevIN 'denorm'
    out = (out - beta[None, :, None]) / (gamma[None, :, None] + EPS * EPS)
    out = out * (sd + EPS) + mu
    return out

if __name__ == "__main__":
    import jax
    _d = setup_inputs()
    print(jax.jit(kernel)(*tuple(_d.values())))

</pallas_src>

<mosaic_0001>
module attributes {stable_mosaic.version = 14 : i64} {
  func.func @_expert_block(%arg0: i32, %arg1: memref<39xi32, #tpu.memory_space<smem>>, %arg2: memref<39x8xi32, #tpu.memory_space<smem>>, %arg3: memref<256x16x336xf32, #tpu.memory_space<vmem>>, %arg4: memref<1x1x8xf32, #tpu.memory_space<vmem>>, %arg5: memref<1x1x8xf32, #tpu.memory_space<vmem>>, %arg6: memref<1x2x336x1024xbf16, #tpu.memory_space<vmem>>, %arg7: memref<1x2x1024xf32, #tpu.memory_space<vmem>>, %arg8: memref<1x2x1024x336xbf16, #tpu.memory_space<vmem>>, %arg9: memref<1x2x336xf32, #tpu.memory_space<vmem>>, %arg10: memref<1x336x96xbf16, #tpu.memory_space<vmem>>, %arg11: memref<1x1x96xf32, #tpu.memory_space<vmem>>, %arg12: memref<256x16x96xf32, #tpu.memory_space<vmem>>, %arg13: memref<8x16x336xf32, #tpu.memory_space<vmem>>) attributes {dimension_semantics = [#tpu.dimension_semantics<arbitrary>], iteration_bounds = array<i64: 39>, scalar_prefetch = 2 : i64, scratch_operands = 1 : i64, tpu.core_type = #tpu.core_type<tc>, window_params = [{pipeline_mode = #tpu.pipeline_mode<synchronous>, transform_indices = @transform_0, window_bounds = array<i64: 256, 16, 336>}, {transform_indices = @transform_1, window_bounds = array<i64: 1, 1, 8>}, {transform_indices = @transform_2, window_bounds = array<i64: 1, 1, 8>}, {transform_indices = @transform_3, window_bounds = array<i64: 1, 2, 336, 1024>}, {transform_indices = @transform_4, window_bounds = array<i64: 1, 2, 1024>}, {transform_indices = @transform_5, window_bounds = array<i64: 1, 2, 1024, 336>}, {transform_indices = @transform_6, window_bounds = array<i64: 1, 2, 336>}, {transform_indices = @transform_7, window_bounds = array<i64: 1, 336, 96>}, {transform_indices = @transform_8, window_bounds = array<i64: 1, 1, 96>}, {pipeline_mode = #tpu.pipeline_mode<synchronous>, transform_indices = @transform_9, window_bounds = array<i64: 256, 16, 96>}]} {
    %get3A = arith.index_cast %arg0 : i32 to index
    %get3A_0 = arith.constant 0 : index
    %get3A_1 = memref.load %arg2[%get3A, %get3A_0] : memref<39x8xi32, #tpu.memory_space<smem>>
    %get3A_2 = arith.index_cast %get3A_1 : i32 to index
    %get3A_3 = arith.constant 0 : index
    %get3A_4 = arith.constant 0 : index
    %get3A_5 = vector.load %arg3[%get3A_2, %get3A_3, %get3A_4] : memref<256x16x336xf32, #tpu.memory_space<vmem>>, vector<1x16x336xf32>
    %get3A_6 = vector.shape_cast %get3A_5 : vector<1x16x336xf32> to vector<16x336xf32>
    %swap3A = arith.constant 0 : index
    %swap3A_7 = arith.constant 0 : index
    %swap3A_8 = arith.constant 0 : index
    %swap3A_9 = vector.load %arg13[%swap3A, %swap3A_7, %swap3A_8] : memref<8x16x336xf32, #tpu.memory_space<vmem>>, vector<1x16x336xf32>
    %swap3A_10 = vector.shape_cast %swap3A_9 : vector<1x16x336xf32> to vector<16x336xf32>
    %swap3A_11 = vector.shape_cast %get3A_6 : vector<16x336xf32> to vector<1x16x336xf32>
    tpu.vector_store %arg13[%swap3A, %swap3A_7, %swap3A_8], %swap3A_11 {strides = array<i32>} : memref<8x16x336xf32, #tpu.memory_space<vmem>>, vector<1x16x336xf32>,
    %get3A_12 = arith.index_cast %arg0 : i32 to index
    %get3A_13 = arith.constant 1 : index
    %get3A_14 = memref.load %arg2[%get3A_12, %get3A_13] : memref<39x8xi32, #tpu.memory_space<smem>>
    %get3A_15 = arith.index_cast %get3A_14 : i32 to index
    %get3A_16 = arith.constant 0 : index
    %get3A_17 = arith.constant 0 : index
    %get3A_18 = vector.load %arg3[%get3A_15, %get3A_16, %get3A_17] : memref<256x16x336xf32, #tpu.memory_space<vmem>>, vector<1x16x336xf32>
    %get3A_19 = vector.shape_cast %get3A_18 : vector<1x16x336xf32> to vector<16x336xf32>
    %swap3A_20 = arith.constant 1 : index
    %swap3A_21 = arith.constant 0 : index
    %swap3A_22 = arith.constant 0 : index
    %swap3A_23 = vector.load %arg13[%swap3A_20, %swap3A_21, %swap3A_22] : memref<8x16x336xf32, #tpu.memory_space<vmem>>, vector<1x16x336xf32>
    %swap3A_24 = vector.shape_cast %swap3A_23 : vector<1x16x336xf32> to vector<16x336xf32>
    %swap3A_25 = vector.shape_cast %get3A_19 : vector<16x336xf32> to vector<1x16x336xf32>
    tpu.vector_store %arg13[%swap3A_20, %swap3A_21, %swap3A_22], %swap3A_25 {strides = array<i32>} : memref<8x16x336xf32, #tpu.memory_space<vmem>>, vector<1x16x336xf32>,
    %get3A_26 = arith.index_cast %arg0 : i32 to index
    %get3A_27 = arith.constant 2 : index
    %get3A_28 = memref.load %arg2[%get3A_26, %get3A_27] : memref<39x8xi32, #tpu.memory_space<smem>>
    %get3A_29 = arith.index_cast %get3A_28 : i32 to index
    %get3A_30 = arith.constant 0 : index
    %get3A_31 = arith.constant 0 : index
    %get3A_32 = vector.load %arg3[%get3A_29, %get3A_30, %get3A_31] : memref<256x16x336xf32, #tpu.memory_space<vmem>>, vector<1x16x336xf32>
    %get3A_33 = vector.shape_cast %get3A_32 : vector<1x16x336xf32> to vector<16x336xf32>
    %swap3A_34 = arith.constant 2 : index
    %swap3A_35 = arith.constant 0 : index
    %swap3A_36 = arith.constant 0 : index
    %swap3A_37 = vector.load %arg13[%swap3A_34, %swap3A_35, %swap3A_36] : memref<8x16x336xf32, #tpu.memory_space<vmem>>, vector<1x16x336xf32>
    %swap3A_38 = vector.shape_cast %swap3A_37 : vector<1x16x336xf32> to vector<16x336xf32>
    %swap3A_39 = vector.shape_cast %get3A_33 : vector<16x336xf32> to vector<1x16x336xf32>
    tpu.vector_store %arg13[%swap3A_34, %swap3A_35, %swap3A_36], %swap3A_39 {strides = array<i32>} : memref<8x16x336xf32, #tpu.memory_space<vmem>>, vector<1x16x336xf32>,
    %get3A_40 = arith.index_cast %arg0 : i32 to index
    %get3A_41 = arith.constant 3 : index
    %get3A_42 = memref.load %arg2[%get3A_40, %get3A_41] : memref<39x8xi32, #tpu.memory_space<smem>>
    %get3A_43 = arith.index_cast %get3A_42 : i32 to index
    %get3A_44 = arith.constant 0 : index
    %get3A_45 = arith.constant 0 : index
    %get3A_46 = vector.load %arg3[%get3A_43, %get3A_44, %get3A_45] : memref<256x16x336xf32, #tpu.memory_space<vmem>>, vector<1x16x336xf32>
    %get3A_47 = vector.shape_cast %get3A_46 : vector<1x16x336xf32> to vector<16x336xf32>
    %swap3A_48 = arith.constant 3 : index
    %swap3A_49 = arith.constant 0 : index
    %swap3A_50 = arith.constant 0 : index
    %swap3A_51 = vector.load %arg13[%swap3A_48, %swap3A_49, %swap3A_50] : memref<8x16x336xf32, #tpu.memory_space<vmem>>, vector<1x16x336xf32>
    %swap3A_52 = vector.shape_cast %swap3A_51 : vector<1x16x336xf32> to vector<16x336xf32>
    %swap3A_53 = vector.shape_cast %get3A_47 : vector<16x336xf32> to vector<1x16x336xf32>
    tpu.vector_store %arg13[%swap3A_48, %swap3A_49, %swap3A_50], %swap3A_53 {strides = array<i32>} : memref<8x16x336xf32, #tpu.memory_space<vmem>>, vector<1x16x336xf32>,
    %get3A_54 = arith.index_cast %arg0 : i32 to index
    %get3A_55 = arith.constant 4 : index
    %get3A_56 = memref.load %arg2[%get3A_54, %get3A_55] : memref<39x8xi32, #tpu.memory_space<smem>>
    %get3A_57 = arith.index_cast %get3A_56 : i32 to index
    %get3A_58 = arith.constant 0 : index
    %get3A_59 = arith.constant 0 : index
    %get3A_60 = vector.load %arg3[%get3A_57, %get3A_58, %get3A_59] : memref<256x16x336xf32, #tpu.memory_space<vmem>>, vector<1x16x336xf32>
    %get3A_61 = vector.shape_cast %get3A_60 : vector<1x16x336xf32> to vector<16x336xf32>
    %swap3A_62 = arith.constant 4 : index
    %swap3A_63 = arith.constant 0 : index
    %swap3A_64 = arith.constant 0 : index
    %swap3A_65 = vector.load %arg13[%swap3A_62, %swap3A_63, %swap3A_64] : memref<8x16x336xf32, #tpu.memory_space<vmem>>, vector<1x16x336xf32>
    %swap3A_66 = vector.shape_cast %swap3A_65 : vector<1x16x336xf32> to vector<16x336xf32>
    %swap3A_67 = vector.shape_cast %get3A_61 : vector<16x336xf32> to vector<1x16x336xf32>
    tpu.vector_store %arg13[%swap3A_62, %swap3A_63, %swap3A_64], %swap3A_67 {strides = array<i32>} : memref<8x16x336xf32, #tpu.memory_space<vmem>>, vector<1x16x336xf32>,
    %get3A_68 = arith.index_cast %arg0 : i32 to index
    %get3A_69 = arith.constant 5 : index
    %get3A_70 = memref.load %arg2[%get3A_68, %get3A_69] : memref<39x8xi32, #tpu.memory_space<smem>>
    %get3A_71 = arith.index_cast %get3A_70 : i32 to index
    %get3A_72 = arith.constant 0 : index
    %get3A_73 = arith.constant 0 : index
    %get3A_74 = vector.load %arg3[%get3A_71, %get3A_72, %get3A_73] : memref<256x16x336xf32, #tpu.memory_space<vmem>>, vector<1x16x336xf32>
    %get3A_75 = vector.shape_cast %get3A_74 : vector<1x16x336xf32> to vector<16x336xf32>
    %swap3A_76 = arith.constant 5 : index
    %swap3A_77 = arith.constant 0 : index
    %swap3A_78 = arith.constant 0 : index
    %swap3A_79 = vector.load %arg13[%swap3A_76, %swap3A_77, %swap3A_78] : memref<8x16x336xf32, #tpu.memory_space<vmem>>, vector<1x16x336xf32>
    %swap3A_80 = vector.shape_cast %swap3A_79 : vector<1x16x336xf32> to vector<16x336xf32>
    %swap3A_81 = vector.shape_cast %get3A_75 : vector<16x336xf32> to vector<1x16x336xf32>
    tpu.vector_store %arg13[%swap3A_76, %swap3A_77, %swap3A_78], %swap3A_81 {strides = array<i32>} : memref<8x16x336xf32, #tpu.memory_space<vmem>>, vector<1x16x336xf32>,
    %get3A_82 = arith.index_cast %arg0 : i32 to index
    %get3A_83 = arith.constant 6 : index
    %get3A_84 = memref.load %arg2[%get3A_82, %get3A_83] : memref<39x8xi32, #tpu.memory_space<smem>>
    %get3A_85 = arith.index_cast %get3A_84 : i32 to index
    %get3A_86 = arith.constant 0 : index
    %get3A_87 = arith.constant 0 : index
    %get3A_88 = vector.load %arg3[%get3A_85, %get3A_86, %get3A_87] : memref<256x16x336xf32, #tpu.memory_space<vmem>>, vector<1x16x336xf32>
    %get3A_89 = vector.shape_cast %get3A_88 : vector<1x16x336xf32> to vector<16x336xf32>
    %swap3A_90 = arith.constant 6 : index
    %swap3A_91 = arith.constant 0 : index
    %swap3A_92 = arith.constant 0 : index
    %swap3A_93 = vector.load %arg13[%swap3A_90, %swap3A_91, %swap3A_92] : memref<8x16x336xf32, #tpu.memory_space<vmem>>, vector<1x16x336xf32>
    %swap3A_94 = vector.shape_cast %swap3A_93 : vector<1x16x336xf32> to vector<16x336xf32>
    %swap3A_95 = vector.shape_cast %get3A_89 : vector<16x336xf32> to vector<1x16x336xf32>
    tpu.vector_store %arg13[%swap3A_90, %swap3A_91, %swap3A_92], %swap3A_95 {strides = array<i32>} : memref<8x16x336xf32, #tpu.memory_space<vmem>>, vector<1x16x336xf32>,
    %get3A_96 = arith.index_cast %arg0 : i32 to index
    %get3A_97 = arith.constant 7 : index
    %get3A_98 = memref.load %arg2[%get3A_96, %get3A_97] : memref<39x8xi32, #tpu.memory_space<smem>>
    %get3A_99 = arith.index_cast %get3A_98 : i32 to index
    %get3A_100 = arith.constant 0 : index
    %get3A_101 = arith.constant 0 : index
    %get3A_102 = vector.load %arg3[%get3A_99, %get3A_100, %get3A_101] : memref<256x16x336xf32, #tpu.memory_space<vmem>>, vector<1x16x336xf32>
    %get3A_103 = vector.shape_cast %get3A_102 : vector<1x16x336xf32> to vector<16x336xf32>
    %swap3A_104 = arith.constant 7 : index
    %swap3A_105 = arith.constant 0 : index
    %swap3A_106 = arith.constant 0 : index
    %swap3A_107 = vector.load %arg13[%swap3A_104, %swap3A_105, %swap3A_106] : memref<8x16x336xf32, #tpu.memory_space<vmem>>, vector<1x16x336xf32>
    %swap3A_108 = vector.shape_cast %swap3A_107 : vector<1x16x336xf32> to vector<16x336xf32>
    %swap3A_109 = vector.shape_cast %get3A_103 : vector<16x336xf32> to vector<1x16x336xf32>
    tpu.vector_store %arg13[%swap3A_104, %swap3A_105, %swap3A_106], %swap3A_109 {strides = array<i32>} : memref<8x16x336xf32, #tpu.memory_space<vmem>>, vector<1x16x336xf32>,
    %get3A_110 = arith.constant 0 : index
    %get3A_111 = arith.constant 0 : index
    %get3A_112 = arith.constant 0 : index
    %get3A_113 = vector.load %arg13[%get3A_110, %get3A_111, %get3A_112] : memref<8x16x336xf32, #tpu.memory_space<vmem>>, vector<8x16x336xf32>
    %reduce_sum3A = arith.constant dense<0.000000e+00> : vector<8x16xf32>
    %reduce_sum3A_114 = vector.multi_reduction <add>, %get3A_113, %reduce_sum3A [2] : vector<8x16x336xf32> to vector<8x16xf32>
    %broadcast_in_dim3A = vector.shape_cast %reduce_sum3A_114 : vector<8x16xf32> to vector<8x16x1xf32>
    %div3A = arith.constant 3.360000e+02 : f32
    %div3A_115 = vector.broadcast %div3A : f32 to vector<8x16x1xf32>
    %div3A_116 = arith.divf %broadcast_in_dim3A, %div3A_115 : vector<8x16x1xf32>
    %sub3A = vector.broadcast %div3A_116 : vector<8x16x1xf32> to vector<8x16x336xf32>
    %sub3A_117 = arith.subf %get3A_113, %sub3A : vector<8x16x336xf32>
    %integer_pow3A = arith.mulf %sub3A_117, %sub3A_117 : vector<8x16x336xf32>
    %reduce_sum3A_118 = arith.constant dense<0.000000e+00> : vector<8x16xf32>
    %reduce_sum3A_119 = vector.multi_reduction <add>, %integer_pow3A, %reduce_sum3A_118 [2] : vector<8x16x336xf32> to vector<8x16xf32>
    %broadcast_in_dim3A_120 = vector.shape_cast %reduce_sum3A_119 : vector<8x16xf32> to vector<8x16x1xf32>
    %div3A_121 = arith.constant 3.360000e+02 : f32
    %div3A_122 = vector.broadcast %div3A_121 : f32 to vector<8x16x1xf32>
    %div3A_123 = arith.divf %broadcast_in_dim3A_120, %div3A_122 : vector<8x16x1xf32>
    %sqrt3A = math.sqrt %div3A_123 : vector<8x16x1xf32>
    %get3A_124 = arith.constant 0 : index
    %get3A_125 = arith.constant 0 : index
    %get3A_126 = arith.constant 0 : index
    %get3A_127 = vector.load %arg4[%get3A_124, %get3A_125, %get3A_126] : memref<1x1x8xf32, #tpu.memory_space<vmem>>, vector<1x1x8xf32>
    %get3A_128 = vector.shape_cast %get3A_127 : vector<1x1x8xf32> to vector<8xf32>
    %broadcast_in_dim3A_129 = vector.shape_cast %get3A_128 : vector<8xf32> to vector<8x1x1xf32>
    %get3A_130 = arith.constant 0 : index
    %get3A_131 = arith.constant 0 : index
    %get3A_132 = arith.constant 0 : index
    %get3A_133 = vector.load %arg5[%get3A_130, %get3A_131, %get3A_132] : memref<1x1x8xf32, #tpu.memory_space<vmem>>, vector<1x1x8xf32>
    %get3A_134 = vector.shape_cast %get3A_133 : vector<1x1x8xf32> to vector<8xf32>
    %broadcast_in_dim3A_135 = vector.shape_cast %get3A_134 : vector<8xf32> to vector<8x1x1xf32>
    %sub3A_136 = vector.broadcast %div3A_116 : vector<8x16x1xf32> to vector<8x16x336xf32>
    %sub3A_137 = arith.subf %get3A_113, %sub3A_136 : vector<8x16x336xf32>
    %add3A = arith.constant 9.99999974E-6 : f32
    %add3A_138 = vector.broadcast %add3A : f32 to vector<8x16x1xf32>
    %add3A_139 = arith.addf %sqrt3A, %add3A_138 : vector<8x16x1xf32>
    %div3A_140 = vector.broadcast %add3A_139 : vector<8x16x1xf32> to vector<8x16x336xf32>
    %div3A_141 = arith.divf %sub3A_137, %div3A_140 : vector<8x16x336xf32>
    %mul3A = vector.broadcast %broadcast_in_dim3A_129 : vector<8x1x1xf32> to vector<8x16x336xf32>
    %mul3A_142 = arith.mulf %div3A_141, %mul3A : vector<8x16x336xf32>
    %add3A_143 = vector.broadcast %broadcast_in_dim3A_135 : vector<8x1x1xf32> to vector<8x16x336xf32>
    %add3A_144 = arith.addf %mul3A_142, %add3A_143 : vector<8x16x336xf32>
    %reshape3A = vector.shape_cast %add3A_144 : vector<8x16x336xf32> to vector<128x336xf32>
    %convert_element_type3A = arith.truncf %reshape3A : vector<128x336xf32> to vector<128x336xbf16>
    %get3A_145 = arith.constant 0 : index
    %get3A_146 = arith.constant 0 : index
    %get3A_147 = arith.constant 0 : index
    %get3A_148 = arith.constant 0 : index
    %get3A_149 = vector.load %arg6[%get3A_145, %get3A_146, %get3A_147, %get3A_148] : memref<1x2x336x1024xbf16, #tpu.memory_space<vmem>>, vector<1x1x336x1024xbf16>
    %get3A_150 = vector.shape_cast %get3A_149 : vector<1x1x336x1024xbf16> to vector<336x1024xbf16>
    %dot_general3A = arith.constant dense<0.000000e+00> : vector<128x1024xf32>
    %dot_general3A_151 = tpu.matmul %convert_element_type3A, %get3A_150, %dot_general3A {dimension_numbers = #tpu.dot_dimension_numbers<[1], [0], [0], [1], [0, 0, 1, 1], [], []>, transpose_lhs_hint = false} : vector<128x336xbf16>, vector<336x1024xbf16>, vector<128x1024xf32> -> vector<128x1024xf32>
    %get3A_152 = arith.constant 0 : index
    %get3A_153 = arith.constant 0 : index
    %get3A_154 = arith.constant 0 : index
    %get3A_155 = vector.load %arg7[%get3A_152, %get3A_153, %get3A_154] : memref<1x2x1024xf32, #tpu.memory_space<vmem>>, vector<1x1x1024xf32>
    %get3A_156 = vector.shape_cast %get3A_155 : vector<1x1x1024xf32> to vector<1024xf32>
    %broadcast_in_dim3A_157 = vector.shape_cast %get3A_156 : vector<1024xf32> to vector<1x1024xf32>
    %add3A_158 = vector.broadcast %broadcast_in_dim3A_157 : vector<1x1024xf32> to vector<128x1024xf32>
    %add3A_159 = arith.addf %dot_general3A_151, %add3A_158 : vector<128x1024xf32>
    %max3A = arith.constant 0.000000e+00 : f32
    %max3A_160 = vector.broadcast %max3A : f32 to vector<128x1024xf32>
    %max3A_161 = arith.maximumf %add3A_159, %max3A_160 : vector<128x1024xf32>
    %convert_element_type3A_162 = arith.truncf %max3A_161 : vector<128x1024xf32> to vector<128x1024xbf16>
    %get3A_163 = arith.constant 0 : index
    %get3A_164 = arith.constant 0 : index
    %get3A_165 = arith.constant 0 : index
    %get3A_166 = arith.constant 0 : index
    %get3A_167 = vector.load %arg8[%get3A_163, %get3A_164, %get3A_165, %get3A_166] : memref<1x2x1024x336xbf16, #tpu.memory_space<vmem>>, vector<1x1x1024x336xbf16>
    %get3A_168 = vector.shape_cast %get3A_167 : vector<1x1x1024x336xbf16> to vector<1024x336xbf16>
    %dot_general3A_169 = arith.constant dense<0.000000e+00> : vector<128x336xf32>
    %dot_general3A_170 = tpu.matmul %convert_element_type3A_162, %get3A_168, %dot_general3A_169 {dimension_numbers = #tpu.dot_dimension_numbers<[1], [0], [0], [1], [0, 0, 1, 1], [], []>, transpose_lhs_hint = false} : vector<128x1024xbf16>, vector<1024x336xbf16>, vector<128x336xf32> -> vector<128x336xf32>
    %add3A_171 = arith.addf %reshape3A, %dot_general3A_170 : vector<128x336xf32>
    %get3A_172 = arith.constant 0 : index
    %get3A_173 = arith.constant 0 : index
    %get3A_174 = arith.constant 0 : index
    %get3A_175 = vector.load %arg9[%get3A_172, %get3A_173, %get3A_174] : memref<1x2x336xf32, #tpu.memory_space<vmem>>, vector<1x1x336xf32>
    %get3A_176 = vector.shape_cast %get3A_175 : vector<1x1x336xf32> to vector<336xf32>
    %broadcast_in_dim3A_177 = vector.shape_cast %get3A_176 : vector<336xf32> to vector<1x336xf32>
    %add3A_178 = vector.broadcast %broadcast_in_dim3A_177 : vector<1x336xf32> to vector<128x336xf32>
    %add3A_179 = arith.addf %add3A_171, %add3A_178 : vector<128x336xf32>
    %convert_element_type3A_180 = arith.truncf %add3A_179 : vector<128x336xf32> to vector<128x336xbf16>
    %get3A_181 = arith.constant 0 : index
    %get3A_182 = arith.constant 1 : index
    %get3A_183 = arith.constant 0 : index
    %get3A_184 = arith.constant 0 : index
    %get3A_185 = vector.load %arg6[%get3A_181, %get3A_182, %get3A_183, %get3A_184] : memref<1x2x336x1024xbf16, #tpu.memory_space<vmem>>, vector<1x1x336x1024xbf16>
    %get3A_186 = vector.shape_cast %get3A_185 : vector<1x1x336x1024xbf16> to vector<336x1024xbf16>
    %dot_general3A_187 = arith.constant dense<0.000000e+00> : vector<128x1024xf32>
    %dot_general3A_188 = tpu.matmul %convert_element_type3A_180, %get3A_186, %dot_general3A_187 {dimension_numbers = #tpu.dot_dimension_numbers<[1], [0], [0], [1], [0, 0, 1, 1], [], []>, transpose_lhs_hint = false} : vector<128x336xbf16>, vector<336x1024xbf16>, vector<128x1024xf32> -> vector<128x1024xf32>
    %get3A_189 = arith.constant 0 : index
    %get3A_190 = arith.constant 1 : index
    %get3A_191 = arith.constant 0 : index
    %get3A_192 = vector.load %arg7[%get3A_189, %get3A_190, %get3A_191] : memref<1x2x1024xf32, #tpu.memory_space<vmem>>, vector<1x1x1024xf32>
    %get3A_193 = vector.shape_cast %get3A_192 : vector<1x1x1024xf32> to vector<1024xf32>
    %broadcast_in_dim3A_194 = vector.shape_cast %get3A_193 : vector<1024xf32> to vector<1x1024xf32>
    %add3A_195 = vector.broadcast %broadcast_in_dim3A_194 : vector<1x1024xf32> to vector<128x1024xf32>
    %add3A_196 = arith.addf %dot_general3A_188, %add3A_195 : vector<128x1024xf32>
    %max3A_197 = arith.constant 0.000000e+00 : f32
    %max3A_198 = vector.broadcast %max3A_197 : f32 to vector<128x1024xf32>
    %max3A_199 = arith.maximumf %add3A_196, %max3A_198 : vector<128x1024xf32>
    %convert_element_type3A_200 = arith.truncf %max3A_199 : vector<128x1024xf32> to vector<128x1024xbf16>
    %get3A_201 = arith.constant 0 : index
    %get3A_202 = arith.constant 1 : index
    %get3A_203 = arith.constant 0 : index
    %get3A_204 = arith.constant 0 : index
    %get3A_205 = vector.load %arg8[%get3A_201, %get3A_202, %get3A_203, %get3A_204] : memref<1x2x1024x336xbf16, #tpu.memory_space<vmem>>, vector<1x1x1024x336xbf16>
    %get3A_206 = vector.shape_cast %get3A_205 : vector<1x1x1024x336xbf16> to vector<1024x336xbf16>
    %dot_general3A_207 = arith.constant dense<0.000000e+00> : vector<128x336xf32>
    %dot_general3A_208 = tpu.matmul %convert_element_type3A_200, %get3A_206, %dot_general3A_207 {dimension_numbers = #tpu.dot_dimension_numbers<[1], [0], [0], [1], [0, 0, 1, 1], [], []>, transpose_lhs_hint = false} : vector<128x1024xbf16>, vector<1024x336xbf16>, vector<128x336xf32> -> vector<128x336xf32>
    %add3A_209 = arith.addf %add3A_179, %dot_general3A_208 : vector<128x336xf32>
    %get3A_210 = arith.constant 0 : index
    %get3A_211 = arith.constant 1 : index
    %get3A_212 = arith.constant 0 : index
    %get3A_213 = vector.load %arg9[%get3A_210, %get3A_211, %get3A_212] : memref<1x2x336xf32, #tpu.memory_space<vmem>>, vector<1x1x336xf32>
    %get3A_214 = vector.shape_cast %get3A_213 : vector<1x1x336xf32> to vector<336xf32>
    %broadcast_in_dim3A_215 = vector.shape_cast %get3A_214 : vector<336xf32> to vector<1x336xf32>
    %add3A_216 = vector.broadcast %broadcast_in_dim3A_215 : vector<1x336xf32> to vector<128x336xf32>
    %add3A_217 = arith.addf %add3A_209, %add3A_216 : vector<128x336xf32>
    %convert_element_type3A_218 = arith.truncf %add3A_217 : vector<128x336xf32> to vector<128x336xbf16>
    %get3A_219 = arith.constant 0 : index
    %get3A_220 = arith.constant 0 : index
    %get3A_221 = arith.constant 0 : index
    %get3A_222 = vector.load %arg10[%get3A_219, %get3A_220, %get3A_221] : memref<1x336x96xbf16, #tpu.memory_space<vmem>>, vector<1x336x96xbf16>
    %get3A_223 = vector.shape_cast %get3A_222 : vector<1x336x96xbf16> to vector<336x96xbf16>
    %dot_general3A_224 = arith.constant dense<0.000000e+00> : vector<128x96xf32>
    %dot_general3A_225 = tpu.matmul %convert_element_type3A_218, %get3A_223, %dot_general3A_224 {dimension_numbers = #tpu.dot_dimension_numbers<[1], [0], [0], [1], [0, 0, 1, 1], [], []>, transpose_lhs_hint = false} : vector<128x336xbf16>, vector<336x96xbf16>, vector<128x96xf32> -> vector<128x96xf32>
    %get3A_226 = arith.constant 0 : index
    %get3A_227 = arith.constant 0 : index
    %get3A_228 = arith.constant 0 : index
    %get3A_229 = vector.load %arg11[%get3A_226, %get3A_227, %get3A_228] : memref<1x1x96xf32, #tpu.memory_space<vmem>>, vector<1x1x96xf32>
    %get3A_230 = vector.shape_cast %get3A_229 : vector<1x1x96xf32> to vector<96xf32>
    %broadcast_in_dim3A_231 = vector.shape_cast %get3A_230 : vector<96xf32> to vector<1x96xf32>
    %add3A_232 = vector.broadcast %broadcast_in_dim3A_231 : vector<1x96xf32> to vector<128x96xf32>
    %add3A_233 = arith.addf %dot_general3A_225, %add3A_232 : vector<128x96xf32>
    %reshape3A_234 = vector.shape_cast %add3A_233 : vector<128x96xf32> to vector<8x16x96xf32>
    %sub3A_235 = vector.broadcast %broadcast_in_dim3A_135 : vector<8x1x1xf32> to vector<8x16x96xf32>
    %sub3A_236 = arith.subf %reshape3A_234, %sub3A_235 : vector<8x16x96xf32>
    %add3A_237 = arith.constant 1.000000e-10 : f32
    %add3A_238 = vector.broadcast %add3A_237 : f32 to vector<8x1x1xf32>
    %add3A_239 = arith.addf %broadcast_in_dim3A_129, %add3A_238 : vector<8x1x1xf32>
    %div3A_240 = vector.broadcast %add3A_239 : vector<8x1x1xf32> to vector<8x16x96xf32>
    %div3A_241 = arith.divf %sub3A_236, %div3A_240 : vector<8x16x96xf32>
    %add3A_242 = arith.constant 9.99999974E-6 : f32
    %add3A_243 = vector.broadcast %add3A_242 : f32 to vector<8x16x1xf32>
    %add3A_244 = arith.addf %sqrt3A, %add3A_243 : vector<8x16x1xf32>
    %mul3A_245 = vector.broadcast %add3A_244 : vector<8x16x1xf32> to vector<8x16x96xf32>
    %mul3A_246 = arith.mulf %div3A_241, %mul3A_245 : vector<8x16x96xf32>
    %add3A_247 = vector.broadcast %div3A_116 : vector<8x16x1xf32> to vector<8x16x96xf32>
    %add3A_248 = arith.addf %mul3A_246, %add3A_247 : vector<8x16x96xf32>
    %get3A_249 = arith.index_cast %arg0 : i32 to index
    %get3A_250 = arith.constant 0 : index
    %get3A_251 = memref.load %arg2[%get3A_249, %get3A_250] : memref<39x8xi32, #tpu.memory_space<smem>>
    %slice3A = vector.extract_strided_slice %add3A_248 {offsets = [0, 0, 0], sizes = [1, 16, 96], strides = [1, 1, 1]} : vector<8x16x96xf32> to vector<1x16x96xf32>
    %squeeze3A = vector.shape_cast %slice3A : vector<1x16x96xf32> to vector<16x96xf32>
    %swap3A_252 = arith.index_cast %get3A_251 : i32 to index
    %swap3A_253 = arith.constant 0 : index
    %swap3A_254 = arith.constant 0 : index
    %swap3A_255 = vector.load %arg12[%swap3A_252, %swap3A_253, %swap3A_254] : memref<256x16x96xf32, #tpu.memory_space<vmem>>, vector<1x16x96xf32>
    %swap3A_256 = vector.shape_cast %swap3A_255 : vector<1x16x96xf32> to vector<16x96xf32>
    %swap3A_257 = vector.shape_cast %squeeze3A : vector<16x96xf32> to vector<1x16x96xf32>
    tpu.vector_store %arg12[%swap3A_252, %swap3A_253, %swap3A_254], %swap3A_257 {strides = array<i32>} : memref<256x16x96xf32, #tpu.memory_space<vmem>>, vector<1x16x96xf32>,
    %get3A_258 = arith.index_cast %arg0 : i32 to index
    %get3A_259 = arith.constant 1 : index
    %get3A_260 = memref.load %arg2[%get3A_258, %get3A_259] : memref<39x8xi32, #tpu.memory_space<smem>>
    %slice3A_261 = vector.extract_strided_slice %add3A_248 {offsets = [1, 0, 0], sizes = [1, 16, 96], strides = [1, 1, 1]} : vector<8x16x96xf32> to vector<1x16x96xf32>
    %squeeze3A_262 = vector.shape_cast %slice3A_261 : vector<1x16x96xf32> to vector<16x96xf32>
    %swap3A_263 = arith.index_cast %get3A_260 : i32 to index
    %swap3A_264 = arith.constant 0 : index
    %swap3A_265 = arith.constant 0 : index
    %swap3A_266 = vector.load %arg12[%swap3A_263, %swap3A_264, %swap3A_265] : memref<256x16x96xf32, #tpu.memory_space<vmem>>, vector<1x16x96xf32>
    %swap3A_267 = vector.shape_cast %swap3A_266 : vector<1x16x96xf32> to vector<16x96xf32>
    %swap3A_268 = vector.shape_cast %squeeze3A_262 : vector<16x96xf32> to vector<1x16x96xf32>
    tpu.vector_store %arg12[%swap3A_263, %swap3A_264, %swap3A_265], %swap3A_268 {strides = array<i32>} : memref<256x16x96xf32, #tpu.memory_space<vmem>>, vector<1x16x96xf32>,
    %get3A_269 = arith.index_cast %arg0 : i32 to index
    %get3A_270 = arith.constant 2 : index
    %get3A_271 = memref.load %arg2[%get3A_269, %get3A_270] : memref<39x8xi32, #tpu.memory_space<smem>>
    %slice3A_272 = vector.extract_strided_slice %add3A_248 {offsets = [2, 0, 0], sizes = [1, 16, 96], strides = [1, 1, 1]} : vector<8x16x96xf32> to vector<1x16x96xf32>
    %squeeze3A_273 = vector.shape_cast %slice3A_272 : vector<1x16x96xf32> to vector<16x96xf32>
    %swap3A_274 = arith.index_cast %get3A_271 : i32 to index
    %swap3A_275 = arith.constant 0 : index
    %swap3A_276 = arith.constant 0 : index
    %swap3A_277 = vector.load %arg12[%swap3A_274, %swap3A_275, %swap3A_276] : memref<256x16x96xf32, #tpu.memory_space<vmem>>, vector<1x16x96xf32>
    %swap3A_278 = vector.shape_cast %swap3A_277 : vector<1x16x96xf32> to vector<16x96xf32>
    %swap3A_279 = vector.shape_cast %squeeze3A_273 : vector<16x96xf32> to vector<1x16x96xf32>
    tpu.vector_store %arg12[%swap3A_274, %swap3A_275, %swap3A_276], %swap3A_279 {strides = array<i32>} : memref<256x16x96xf32, #tpu.memory_space<vmem>>, vector<1x16x96xf32>,
    %get3A_280 = arith.index_cast %arg0 : i32 to index
    %get3A_281 = arith.constant 3 : index
    %get3A_282 = memref.load %arg2[%get3A_280, %get3A_281] : memref<39x8xi32, #tpu.memory_space<smem>>
    %slice3A_283 = vector.extract_strided_slice %add3A_248 {offsets = [3, 0, 0], sizes = [1, 16, 96], strides = [1, 1, 1]} : vector<8x16x96xf32> to vector<1x16x96xf32>
    %squeeze3A_284 = vector.shape_cast %slice3A_283 : vector<1x16x96xf32> to vector<16x96xf32>
    %swap3A_285 = arith.index_cast %get3A_282 : i32 to index
    %swap3A_286 = arith.constant 0 : index
    %swap3A_287 = arith.constant 0 : index
    %swap3A_288 = vector.load %arg12[%swap3A_285, %swap3A_286, %swap3A_287] : memref<256x16x96xf32, #tpu.memory_space<vmem>>, vector<1x16x96xf32>
    %swap3A_289 = vector.shape_cast %swap3A_288 : vector<1x16x96xf32> to vector<16x96xf32>
    %swap3A_290 = vector.shape_cast %squeeze3A_284 : vector<16x96xf32> to vector<1x16x96xf32>
    tpu.vector_store %arg12[%swap3A_285, %swap3A_286, %swap3A_287], %swap3A_290 {strides = array<i32>} : memref<256x16x96xf32, #tpu.memory_space<vmem>>, vector<1x16x96xf32>,
    %get3A_291 = arith.index_cast %arg0 : i32 to index
    %get3A_292 = arith.constant 4 : index
    %get3A_293 = memref.load %arg2[%get3A_291, %get3A_292] : memref<39x8xi32, #tpu.memory_space<smem>>
    %slice3A_294 = vector.extract_strided_slice %add3A_248 {offsets = [4, 0, 0], sizes = [1, 16, 96], strides = [1, 1, 1]} : vector<8x16x96xf32> to vector<1x16x96xf32>
    %squeeze3A_295 = vector.shape_cast %slice3A_294 : vector<1x16x96xf32> to vector<16x96xf32>
    %swap3A_296 = arith.index_cast %get3A_293 : i32 to index
    %swap3A_297 = arith.constant 0 : index
    %swap3A_298 = arith.constant 0 : index
    %swap3A_299 = vector.load %arg12[%swap3A_296, %swap3A_297, %swap3A_298] : memref<256x16x96xf32, #tpu.memory_space<vmem>>, vector<1x16x96xf32>
    %swap3A_300 = vector.shape_cast %swap3A_299 : vector<1x16x96xf32> to vector<16x96xf32>
    %swap3A_301 = vector.shape_cast %squeeze3A_295 : vector<16x96xf32> to vector<1x16x96xf32>
    tpu.vector_store %arg12[%swap3A_296, %swap3A_297, %swap3A_298], %swap3A_301 {strides = array<i32>} : memref<256x16x96xf32, #tpu.memory_space<vmem>>, vector<1x16x96xf32>,
    %get3A_302 = arith.index_cast %arg0 : i32 to index
    %get3A_303 = arith.constant 5 : index
    %get3A_304 = memref.load %arg2[%get3A_302, %get3A_303] : memref<39x8xi32, #tpu.memory_space<smem>>
    %slice3A_305 = vector.extract_strided_slice %add3A_248 {offsets = [5, 0, 0], sizes = [1, 16, 96], strides = [1, 1, 1]} : vector<8x16x96xf32> to vector<1x16x96xf32>
    %squeeze3A_306 = vector.shape_cast %slice3A_305 : vector<1x16x96xf32> to vector<16x96xf32>
    %swap3A_307 = arith.index_cast %get3A_304 : i32 to index
    %swap3A_308 = arith.constant 0 : index
    %swap3A_309 = arith.constant 0 : index
    %swap3A_310 = vector.load %arg12[%swap3A_307, %swap3A_308, %swap3A_309] : memref<256x16x96xf32, #tpu.memory_space<vmem>>, vector<1x16x96xf32>
    %swap3A_311 = vector.shape_cast %swap3A_310 : vector<1x16x96xf32> to vector<16x96xf32>
    %swap3A_312 = vector.shape_cast %squeeze3A_306 : vector<16x96xf32> to vector<1x16x96xf32>
    tpu.vector_store %arg12[%swap3A_307, %swap3A_308, %swap3A_309], %swap3A_312 {strides = array<i32>} : memref<256x16x96xf32, #tpu.memory_space<vmem>>, vector<1x16x96xf32>,
    %get3A_313 = arith.index_cast %arg0 : i32 to index
    %get3A_314 = arith.constant 6 : index
    %get3A_315 = memref.load %arg2[%get3A_313, %get3A_314] : memref<39x8xi32, #tpu.memory_space<smem>>
    %slice3A_316 = vector.extract_strided_slice %add3A_248 {offsets = [6, 0, 0], sizes = [1, 16, 96], strides = [1, 1, 1]} : vector<8x16x96xf32> to vector<1x16x96xf32>
    %squeeze3A_317 = vector.shape_cast %slice3A_316 : vector<1x16x96xf32> to vector<16x96xf32>
    %swap3A_318 = arith.index_cast %get3A_315 : i32 to index
    %swap3A_319 = arith.constant 0 : index
    %swap3A_320 = arith.constant 0 : index
    %swap3A_321 = vector.load %arg12[%swap3A_318, %swap3A_319, %swap3A_320] : memref<256x16x96xf32, #tpu.memory_space<vmem>>, vector<1x16x96xf32>
    %swap3A_322 = vector.shape_cast %swap3A_321 : vector<1x16x96xf32> to vector<16x96xf32>
    %swap3A_323 = vector.shape_cast %squeeze3A_317 : vector<16x96xf32> to vector<1x16x96xf32>
    tpu.vector_store %arg12[%swap3A_318, %swap3A_319, %swap3A_320], %swap3A_323 {strides = array<i32>} : memref<256x16x96xf32, #tpu.memory_space<vmem>>, vector<1x16x96xf32>,
    %get3A_324 = arith.index_cast %arg0 : i32 to index
    %get3A_325 = arith.constant 7 : index
    %get3A_326 = memref.load %arg2[%get3A_324, %get3A_325] : memref<39x8xi32, #tpu.memory_space<smem>>
    %slice3A_327 = vector.extract_strided_slice %add3A_248 {offsets = [7, 0, 0], sizes = [1, 16, 96], strides = [1, 1, 1]} : vector<8x16x96xf32> to vector<1x16x96xf32>
    %squeeze3A_328 = vector.shape_cast %slice3A_327 : vector<1x16x96xf32> to vector<16x96xf32>
    %swap3A_329 = arith.index_cast %get3A_326 : i32 to index
    %swap3A_330 = arith.constant 0 : index
    %swap3A_331 = arith.constant 0 : index
    %swap3A_332 = vector.load %arg12[%swap3A_329, %swap3A_330, %swap3A_331] : memref<256x16x96xf32, #tpu.memory_space<vmem>>, vector<1x16x96xf32>
    %swap3A_333 = vector.shape_cast %swap3A_332 : vector<1x16x96xf32> to vector<16x96xf32>
    %swap3A_334 = vector.shape_cast %squeeze3A_328 : vector<16x96xf32> to vector<1x16x96xf32>
    tpu.vector_store %arg12[%swap3A_329, %swap3A_330, %swap3A_331], %swap3A_334 {strides = array<i32>} : memref<256x16x96xf32, #tpu.memory_space<vmem>>, vector<1x16x96xf32>,
    return
  }
  func.func @transform_0(%arg0: i32, %arg1: memref<39xi32, #tpu.memory_space<smem>>, %arg2: memref<39x8xi32, #tpu.memory_space<smem>>) -> (i32, i32, i32) {
    %c0_i32 = arith.constant 0 : i32
    %c0_i32_0 = arith.constant 0 : i32
    %c0_i32_1 = arith.constant 0 : i32
    %c0_i32_2 = arith.constant 0 : i32
    return %c0_i32, %c0_i32_0, %c0_i32_1 : i32, i32, i32
  }
  func.func @transform_1(%arg0: i32, %arg1: memref<39xi32, #tpu.memory_space<smem>>, %arg2: memref<39x8xi32, #tpu.memory_space<smem>>) -> (i32, i32, i32) {
    %c0_i32 = arith.constant 0 : i32
    %c0_i32_0 = arith.constant 0 : i32
    %c0_i32_1 = arith.constant 0 : i32
    return %arg0, %c0_i32, %c0_i32_0 : i32, i32, i32
  }
  func.func @transform_2(%arg0: i32, %arg1: memref<39xi32, #tpu.memory_space<smem>>, %arg2: memref<39x8xi32, #tpu.memory_space<smem>>) -> (i32, i32, i32) {
    %c0_i32 = arith.constant 0 : i32
    %c0_i32_0 = arith.constant 0 : i32
    %c0_i32_1 = arith.constant 0 : i32
    return %arg0, %c0_i32, %c0_i32_0 : i32, i32, i32
  }
  func.func @transform_3(%arg0: i32, %arg1: memref<39xi32, #tpu.memory_space<smem>>, %arg2: memref<39x8xi32, #tpu.memory_space<smem>>) -> (i32, i32, i32, i32) {
    %get3A = arith.index_cast %arg0 : i32 to index
    %get3A_0 = memref.load %arg1[%get3A] : memref<39xi32, #tpu.memory_space<smem>>
    %c0_i32 = arith.constant 0 : i32
    %c0_i32_1 = arith.constant 0 : i32
    %c0_i32_2 = arith.constant 0 : i32
    %c0_i32_3 = arith.constant 0 : i32
    return %get3A_0, %c0_i32, %c0_i32_1, %c0_i32_2 : i32, i32, i32, i32
  }
  func.func @transform_4(%arg0: i32, %arg1: memref<39xi32, #tpu.memory_space<smem>>, %arg2: memref<39x8xi32, #tpu.memory_space<smem>>) -> (i32, i32, i32) {
    %get3A = arith.index_cast %arg0 : i32 to index
    %get3A_0 = memref.load %arg1[%get3A] : memref<39xi32, #tpu.memory_space<smem>>
    %c0_i32 = arith.constant 0 : i32
    %c0_i32_1 = arith.constant 0 : i32
    %c0_i32_2 = arith.constant 0 : i32
    return %get3A_0, %c0_i32, %c0_i32_1 : i32, i32, i32
  }
  func.func @transform_5(%arg0: i32, %arg1: memref<39xi32, #tpu.memory_space<smem>>, %arg2: memref<39x8xi32, #tpu.memory_space<smem>>) -> (i32, i32, i32, i32) {
    %get3A = arith.index_cast %arg0 : i32 to index
    %get3A_0 = memref.load %arg1[%get3A] : memref<39xi32, #tpu.memory_space<smem>>
    %c0_i32 = arith.constant 0 : i32
    %c0_i32_1 = arith.constant 0 : i32
    %c0_i32_2 = arith.constant 0 : i32
    %c0_i32_3 = arith.constant 0 : i32
    return %get3A_0, %c0_i32, %c0_i32_1, %c0_i32_2 : i32, i32, i32, i32
  }
  func.func @transform_6(%arg0: i32, %arg1: memref<39xi32, #tpu.memory_space<smem>>, %arg2: memref<39x8xi32, #tpu.memory_space<smem>>) -> (i32, i32, i32) {
    %get3A = arith.index_cast %arg0 : i32 to index
    %get3A_0 = memref.load %arg1[%get3A] : memref<39xi32, #tpu.memory_space<smem>>
    %c0_i32 = arith.constant 0 : i32
    %c0_i32_1 = arith.constant 0 : i32
    %c0_i32_2 = arith.constant 0 : i32
    return %get3A_0, %c0_i32, %c0_i32_1 : i32, i32, i32
  }
  func.func @transform_7(%arg0: i32, %arg1: memref<39xi32, #tpu.memory_space<smem>>, %arg2: memref<39x8xi32, #tpu.memory_space<smem>>) -> (i32, i32, i32) {
    %get3A = arith.index_cast %arg0 : i32 to index
    %get3A_0 = memref.load %arg1[%get3A] : memref<39xi32, #tpu.memory_space<smem>>
    %c0_i32 = arith.constant 0 : i32
    %c0_i32_1 = arith.constant 0 : i32
    %c0_i32_2 = arith.constant 0 : i32
    return %get3A_0, %c0_i32, %c0_i32_1 : i32, i32, i32
  }
  func.func @transform_8(%arg0: i32, %arg1: memref<39xi32, #tpu.memory_space<smem>>, %arg2: memref<39x8xi32, #tpu.memory_space<smem>>) -> (i32, i32, i32) {
    %get3A = arith.index_cast %arg0 : i32 to index
    %get3A_0 = memref.load %arg1[%get3A] : memref<39xi32, #tpu.memory_space<smem>>
    %c0_i32 = arith.constant 0 : i32
    %c0_i32_1 = arith.constant 0 : i32
    %c0_i32_2 = arith.constant 0 : i32
    return %get3A_0, %c0_i32, %c0_i32_1 : i32, i32, i32
  }
  func.func @transform_9(%arg0: i32, %arg1: memref<39xi32, #tpu.memory_space<smem>>, %arg2: memref<39x8xi32, #tpu.memory_space<smem>>) -> (i32, i32, i32) {
    %c0_i32 = arith.constant 0 : i32
    %c0_i32_0 = arith.constant 0 : i32
    %c0_i32_1 = arith.constant 0 : i32
    %c0_i32_2 = arith.constant 0 : i32
    return %c0_i32, %c0_i32_0, %c0_i32_1 : i32, i32, i32
  }
}

</mosaic_0001>

<sc_bundles>
// kernel: scatter_offload_async_start
scs
__scs_entry_jumppad:
0x0: {  	(pc) =	sbr.rel $0x88, $3  }
0x1: {  	(tag) =	ssettag $0x0;
	lr =	simm.s32 $0x1  }
0x2: {  	[smem:$0x3F96] =	sst lr;
	_ =	strace $0xD0000000  }
0x3: {  	_ = 	snop  }
0x4: {  	_ = 	snop  }
0x5: {  	_ = 	snop  }
0x6: {  	_ = 	snop  }
0x7: {  	_ = 	snop  }
__scs_overlays_trampoline_lowered:
0x8: {  	[smem:$0x3FA5] =	sst s0  }
0x9: {  	[smem:$0x3FA6] =	sst s1  }
0xa: {  	[smem:$0x3FA7] =	sst s2  }
0xb: {  	[smem:$0x3FA8] =	sst s3  }
0xc: {  	[smem:$0x3FA9] =	sst s4  }
0xd: {  	[smem:$0x3FAA] =	sst s5  }
0xe: {  	[smem:$0x3FAB] =	sst s6  }
0xf: {  	[smem:$0x3FAC] =	sst s7  }
0x10: {  	[smem:$0x3FAD] =	sst s8  }
0x11: {  	[smem:$0x3FAE] =	sst s9;
	s0 =	simm.s32 @!p0 $0x0  }
0x12: {  	s1 =	sld [smem:$0x3F94];
	s0 =	simm.s32 @p0 $0x1  }
0x13: {  	[smem:$0x3FAF] =	sst s0;
	s0 =	simm.s32 @!p1 $0x0  }
0x14: {  	s2 =	sld [smem:$0x3F93];
	s0 =	simm.s32 @p1 $0x1  }
0x15: {  	[smem:$0x3FB0] =	sst s0;
	s0 =	simm.s32 @!p2 $0x0  }
0x16: {  	s3 =	sld [smem:$0x3FDB];
	s0 =	simm.s32 @p2 $0x1  }
0x17: {  	s4 =	simm.s32 $0x1BF5;
	[smem:$0x3FB2] =	sst s0  }
0x18: {  	s0 =	sld [smem:$0x3F95];
	_ =	swait.ge [sflag:s4], $0x0  }
0x19: {  	s7 =	sld [smem:$0x3F96]  }
0x1a: {  	s8 =	sadd.s32 $0xFFFFE003, lr  }
0x1b: {  	s9 =	sadd.s32 $0xFFFFFEF7, lr;
	s5 =	simm.s32 $0xFFFFFFFF;
	p2 =	slt.u32 s8, $0xFFFFF086  }
0x1c: {  	p1 =	slt.u32 s9, $0xF7A;
	s5 =	simm.s32 @!p2 $0x0  }
0x1d: {  	s5 =	simm.s32 @p1 $0x1;
	p0 =	seq.s32 s7, s2  }
0x1e: {  	s7 =	smul.u32 @!p0 $0xF7A, s2;
	p2 =	seq.s32 @!p0 s5, $0x0  }
0x1f: {  	s9 =	smul.u32 $0xF7A, s1;
	s8 =	simm.s32 @!p0 $0x1BF5;
	p2 =	por !p2, p0  }
0x20: {  	[sflag:s8] =	ssyncset.s32 @!p0 $0xFFFFF086;
	s6 =	sadd.s32 @!p0 s3, s7;
	s7 =	simm.s32 @!p0 $0x108  }
0x21: {  	s3 =	sadd.s32 s3, s9;
	s6 =	sadd.s32 @!p0 $0x88, s6;
	s7 =	simm.s32 @p2 $0x1082  }
0x22: {  	[simem:s7], [sflag:s8] =	dma.local @!p0 [hbm:s6], $0xF7A  }
0x23: {  	s9 =	sor.u32 $0xD0000000, s2;
	s6 =	simm.s32 $0x108;
	_ =	swait.ge @!p0 [sflag:s8], $0x0  }
0x24: {  	s3 =	sadd.s32 $0x88, s3;
	s6 =	simm.s32 @!p1 $0x1082;
	[sflag:s4] =	ssyncset.s32 $0xFFFFF086  }
0x25: {  	[simem:s6], [sflag:s4] =	dma.local [hbm:s3], $0xF7A  }
0x26: {  	[smem:$0x3F96] =	sst s1;
	(tag) =	ssettag s2;
	_ =	strace s9  }
0x27: {  	s1 =	sld [smem:$0x3FA6]  }
0x28: {  	s2 =	sld [smem:$0x3FA7]  }
0x29: {  	s4 =	sld [smem:$0x3FA9]  }
0x2a: {  	p0 =	seq.s32 s5, $0x0;
	s5 =	sld [smem:$0x3FAA]  }
0x2b: {  	s6 =	sld [smem:$0x3FAB]  }
0x2c: {  	s7 =	sld [smem:$0x3FAC]  }
0x2d: {  	s3 =	simm.s32 $0x108;
	s8 =	sld [smem:$0x3FAD]  }
0x2e: {  	s3 =	simm.s32 @!p0 $0x1082;
	s9 =	sld [smem:$0x3FAE]  }
0x2f: {  	lr =	sadd.s32 s0, s3;
	s0 =	sld [smem:$0x3FA5]  }
0x30: {  	s3 =	sld [smem:$0x3FA8]  }
0x31: {  	[smem:$0x3FB1] =	sst s10  }
0x32: {  	s10 =	sld [smem:$0x3FAF];
	_ =	sdelay $0x3  }
0x33: {  	p0 =	seq.s32 s10, $0x1;
	s10 =	sld [smem:$0x3FB1];
	_ =	sdelay $0x3  }
0x34: {  	[smem:$0x3FB1] =	sst s10  }
0x35: {  	s10 =	sld [smem:$0x3FB0];
	_ =	sdelay $0x3  }
0x36: {  	p1 =	seq.s32 s10, $0x1;
	s10 =	sld [smem:$0x3FB1];
	_ =	sdelay $0x3  }
0x37: {  	[smem:$0x3FB1] =	sst s10  }
0x38: {  	s10 =	sld [smem:$0x3FB2]  }
0x39: {  	_ = 	snop;
	(pc) =	sbr.ind lr, $3  }
0x3a: {  	_ = 	snop  }
0x3b: {  	_ = 	snop  }
0x3c: {  	p2 =	seq.s32 s10, $0x1;
	s10 =	sld [smem:$0x3FB1]  }
0x3d: {  	_ =	shalt  }
0x3e: {  	_ =	shalt  }
0x3f: {  	_ =	shalt  }
0x40: {  	_ =	shalt  }
0x41: {  	_ =	shalt  }
0x42: {  	_ =	shalt  }
0x43: {  	_ =	shalt  }
0x44: {  	_ =	shalt  }
0x45: {  	_ =	shalt  }
0x46: {  	_ =	shalt  }
0x47: {  	_ =	shalt  }
0x48: {  	_ =	shalt  }
0x49: {  	_ =	shalt  }
0x4a: {  	_ =	shalt  }
0x4b: {  	_ =	shalt  }
0x4c: {  	_ =	shalt  }
0x4d: {  	_ =	shalt  }
0x4e: {  	_ =	shalt  }
0x4f: {  	_ =	shalt  }
0x50: {  	_ =	shalt  }
0x51: {  	_ =	shalt  }
0x52: {  	_ =	shalt  }
0x53: {  	_ =	shalt  }
0x54: {  	_ =	shalt  }
0x55: {  	_ =	shalt  }
0x56: {  	_ =	shalt  }
0x57: {  	_ =	shalt  }
0x58: {  	_ =	shalt  }
0x59: {  	_ =	shalt  }
0x5a: {  	_ =	shalt  }
0x5b: {  	_ =	shalt  }
0x5c: {  	_ =	shalt  }
0x5d: {  	_ =	shalt  }
0x5e: {  	_ =	shalt  }
0x5f: {  	_ =	shalt  }
0x60: {  	_ =	shalt  }
0x61: {  	_ =	shalt  }
0x62: {  	_ =	shalt  }
0x63: {  	_ =	shalt  }
0x64: {  	_ =	shalt  }
0x65: {  	_ =	shalt  }
0x66: {  	_ =	shalt  }
0x67: {  	_ =	shalt  }
0x68: {  	_ =	shalt  }
0x69: {  	_ =	shalt  }
0x6a: {  	_ =	shalt  }
0x6b: {  	_ =	shalt  }
0x6c: {  	_ =	shalt  }
0x6d: {  	_ =	shalt  }
0x6e: {  	_ =	shalt  }
0x6f: {  	_ =	shalt  }
0x70: {  	_ =	shalt  }
0x71: {  	_ =	shalt  }
0x72: {  	_ =	shalt  }
0x73: {  	_ =	shalt  }
0x74: {  	_ =	shalt  }
0x75: {  	_ =	shalt  }
0x76: {  	_ =	shalt  }
0x77: {  	_ =	shalt  }
0x78: {  	_ =	shalt  }
0x79: {  	_ =	shalt  }
0x7a: {  	_ =	shalt  }
0x7b: {  	_ =	shalt  }
0x7c: {  	_ =	shalt  }
0x7d: {  	_ =	shalt  }
0x7e: {  	_ =	shalt  }
0x7f: {  	_ =	shalt  }
0x80: {  	_ =	shalt  }
0x81: {  	_ =	shalt  }
0x82: {  	_ =	shalt  }
0x83: {  	_ =	shalt  }
0x84: {  	_ =	shalt  }
0x85: {  	_ =	shalt  }
0x86: {  	_ =	shalt  }
0x87: {  	_ =	shalt  }
.Lfunc_end0:
.L_simem_size_0:
called_computation_lowered:
.L_overlay_start_0:
0x88: {  	s0 =	sld [smem:$0x3FD9]  }
0x89: {  	s1 =	sld [smem:$0x3FFE];
	_ =	sdelay $0x3  }
0x8a: {  	s0 =	sadd.s32 s1, s0  }
0x8b: {  	[smem:$0x3FBD] =	sst s0  }
0x8c: {  	_ = 	snop  }
0x8d: {  	s0 =	sld [smem:$0x3FD0];
	(tm) =	ssettm $0x1  }
0x8e: {  	s16 =	sld [smem:$0x3FFB];
	_ =	sdelay $0x3  }
0x8f: {  	_ =	strace s16  }
0x90: {  	s1 =	sld [smem:$0x3FFC];
	_ =	sdelay $0x3  }
0x91: {  	_ =	strace s1  }
0x92: {  	s1 =	sld [smem:$0x3FFD];
	_ =	sdelay $0x3  }
0x93: {  	_ =	strace s1  }
0x94: {  	_ =	strace $0x8FFFFFFF  }
0x95: {  	s17 =	sld [smem:$0x3FDB];
	_ =	sdelay $0x1  }
0x96: {  	s2 =	simm.s32 $_scs_section_size  }
0x97: {  	s3 =	simm.s32 $_size__tile_overlayer_lowered;
	s4 =	simm.s32 $_tile_overlayer_lowered  }
0x98: {  	s20 =	simm.s32 $0x1BFF;
	s19 =	sshll.u32 s4, $0x1;
	s1 =	sadd.s32 s2, s17  }
0x99: {  	s5 =	simm.s32 $0x0;
	s18 =	sshll.u32 s3, $0x1;
	s3 =	sadd.s32 s19, s1  }
0x9a: {  	[timem:s5], [sflag:s20] =	dma.local [hbm:s3], s18  }
0x9b: {  	_ =	swait.ge [sflag:s20], s18  }
0x9c: {  	s2 =	ssub.s32 $0x0, s18;
	[sflag:s20] =	ssyncset.done $0x0  }
0x9d: {  	[sflag:s20] =	ssyncadd.s32 s2;
	_ =	sdelay $0x1  }
0x9e: {  	s21 =	simm.s32 $0x1B8B  }
0x9f: {  	_ =	swait.ge [sflag:s21], $0x1  }
0xa0: {  	[sflag:s21] =	ssyncset.done $0x0  }
0xa1: {  	s23 =	simm.s32 $0x1B8E;
	s22 =	sld [smem:$0x3FFE];
	[sflag:s21] =	ssyncadd.s32 $0xFFFFFFFF  }
0xa2: {  	s24 =	simm.s32 $execute0_lowered;
	[smem:$0x3FD2] =	sst s23  }
0xa3: {  	s3 =	sshll.u32 s24, $0x1;
	_ =	strace $0x80000046;
	[dreg:$0x1] =	wrdreg $0xFFFFFFFF  }
0xa4: {  	s25 =	simm.s32 $_size_execute0_lowered;
	s1 =	sadd.s32 s1, s3;
	[dreg:$0x0] =	wrdreg $0x0  }
0xa5: {  	s3 =	sshll.u32 s25, $0x1;
	[dreg:$0x2] =	wrdreg s1  }
0xa6: {  	[dreg:$0x3] =	wrdreg s3  }
0xa7: {  	[dreg:$0x4] =	wrdreg $0xC0  }
0xa8: {  	_ =	task [dreg:s5], $0x5FFFF  }
0xa9: {  	[dreg:$0x1] =	wrdreg $0xFFFFFFFF  }
0xaa: {  	[dreg:$0x0] =	wrdreg $0x60  }
0xab: {  	[dreg:$0x2] =	wrdreg s22  }
0xac: {  	[dreg:$0x3] =	wrdreg s0  }
0xad: {  	[dreg:$0x4] =	wrdreg $0x9  }
0xae: {  	_ =	task.clear_ibuf [dreg:s5], $0x5FFFF;
	_ =	strace $0x90000046  }
0xaf: {  	s26 =	simm.s32 $0x9;
	_ =	strace $0x80000048  }
0xb0: {  	_ =	swait.ge [sflag:s26], $0x1  }
0xb1: {  	[sflag:s26] =	ssyncadd.s32 $0xFFFFFFFF  }
0xb2: {  	_ =	strace $0x90000048  }
0xb3: {  	_ =	sfence  }
0xb4: {  	s28 =	sld [smem:$0x0];
	_ =	sdelay $0x1  }
0xb5: {  	s29 =	srdreg.scid  }
0xb6: {  	s30 =	sshll.u32 s29, $0xD;
	s31 =	sshrl.u32 s29, $0x2  }
0xb7: {  	s2 =	sand.u32 $0x4000, s30;
	s1 =	sand.u32 $0x1, s29;
	s0 =	sadd.s32 s31, s28  }
0xb8: {  	s1 =	sor.u32 s2, s1;
	s0 =	sshll.u32 s0, $0x11  }
0xb9: {  	s0 =	sor.u32 s0, s1  }
0xba: {  	s0 =	sadd.s32 $0x8F2B, s0  }
0xbb: {  	[sflag:s0] =	ssyncadd.remote.s32 $0x1  }
0xbc: {  	_ =	sfence.sel $0xFFFF  }
0xbd: {  	[dreg:$0x0] =	wrdreg $0xFFFFFFFF;
	(pc) =	sbr.abs _section_cstart, $3  }
0xbe: {  	[dreg:$0x1] =	wrdreg $0xFFFFFFFF  }
0xbf: {  	_ =	task.clear_ibuf [dreg:s5], $0x2FFFF;
	_ =	strace $0x9FFFFFFF  }
0xc0: {  	(tm) =	ssettm $0x7FFFFFFF  }
0xc1: {  	_ =	shalt  }
tec
execute0_lowered:
.L_overlay_start_1:
0x0: {  	(tag) =	ssettag $0x1  }
0x1: {  	s1 =	rddreg [dreg:$0x0]  }
0x2: {  	s2 =	rddreg [dreg:$0x1]  }
0x3: {  	s0 =	rddreg [dreg:$0x2];
	_ =	strace $0x80000047;
	s3 =	stileid.u32  }
0x4: {  	s5 =	simm.s32 $0x3E;
	s4 =	sadd.s32 $0x60800, s1;
	p0 =	sne.s32 s3, $0x0  }
0x5: {  	[sflag:s5] =	ssyncpa.u1 $0x0;
	s6 =	simm.s32 @!p0 $0x1C3E;
	s7 =	simm.s32 @!p0 $0x0  }
0x6: {  	[spmem:s7], [sflag:s6] =	dma.local @!p0 [hbm:s4], $0x10  }
0x7: {  	s6 =	simm.s32 @!p0 $0x3E  }
0x8: {  	_ =	swait.ge @!p0 [sflag:s6], $0x10  }
0x9: {  	[sflag:s6] =	ssyncset.done @!p0 $0x0  }
0xa: {  	[sflag:s6] =	ssyncadd.s32 @!p0 $0xFFFFFFF0  }
0xb: {  	s28 =	simm.s32 $0x1;
	s29 =	simm.s32 $0x2;
	[bflag:$0x0] =	sbarrier.arrive $0xFFFF  }
0xc: {  	s8 =	simm.s32 $0x0;
	s9 =	simm.s32 $0x18;
	[sflag:s5] =	ssyncpa.u1 $0x1  }
0xd: {  	s1 =	sadd.s32 $0x60600, s1;
	s3 =	sshll.u32 s3, $0x1;
	[sflag:s28] =	ssyncpa.u1 $0x0  }
0xe: {  	s2 =	sadd.s32 s2, s3;
	(ifvalue) =	ssetifvalue $0x80;
	[sflag:s29] =	ssyncpa.u1 $0x0  }
0xf: {  	[tilespmem:s9], [sflag:$0x2] =	stream.linear.gather [hbm4b:s2+s8], $0x10, $0x38;
	[tilespmem:$0x48] =	vst v63  }
0x10: {  	s30 =	simm.s32 $0x38;
	s1 =	sadd.s32 s1, s3  }
0x11: {  	[tilespmem:s30], [sflag:$0x2] =	stream.linear.gather [hbm4b:s1+s8], $0x10, $0x38;
	[tilespmem:$0x48] =	vst v63  }
0x12: {  	_ =	swait.ge [sflag:s29], $0x20  }
0x13: {  	[sflag:s29] =	ssyncset.done $0x0  }
0x14: {  	[sflag:s29] =	ssyncadd.s32 $0xFFFFFFE0  }
0x15: {  	v0 =	vld.msk [tilespmem:s9+$0x0 ss:$0x1], $0xffff;
	_ =	sdelay $0x4  }
0x16: {  	v0 =	vmin.u32 v0, $0x80;
	_ =	sdelay $0x3  }
0x17: {  	vm0 =	vmmov $0xffff  }
0x18: {  	[spmem:s8] =	stream.indirect_vreg.scatter.add.s32 [tilespmem:s30], [sflag:$0x1], $0x1, v0, vm0, $0x4038;
	[tilespmem:$0x48] =	vst v63  }
0x19: {  	_ =	swait.ge [sflag:s28], $0x10  }
0x1a: {  	[sflag:s28] =	ssyncset.done $0x0  }
0x1b: {  	[sflag:s28] =	ssyncadd.s32 $0xFFFFFFF0  }
0x1c: {  	_ =	sfence.sel $0x180000  }
0x1d: {  	[bflag:$0x0] =	sbarrier.arrive $0xFFFF  }
0x1e: {  	[sflag:s29] =	ssyncpa.u1 $0x1  }
0x1f: {  	[sflag:s28] =	ssyncpa.u1 $0x1  }
0x20: {  	_ =	sfence.stream.spmem  }
0x21: {  	s31 =	simm.s32 $0x3D;
	[bflag:$0x0] =	sbarrier.arrive $0xFFFF  }
0x22: {  	s1 =	simm.s32 @p0 $0x3D;
	[sflag:s31] =	ssyncpa.u1 $0x0  }
0x23: {  	[sflag:s1] =	ssyncpa.u1 @p0 $0x1  }
0x24: {  	[bflag:$0x0] =	sbarrier.arrive @p0 $0xFFFF  }
0x25: {  	_ =	strace @p0 $0x90000047  }
0x26: {  	s1 =	simm.s32 @!p0 $0x1C3D;
	[bflag:$0x2] =	sbarrier.arrive @p0 $0xFFFF  }
0x27: {  	[hbm:s4], [sflag:s1] =	dma.local @!p0 [spmem:s7], $0x10  }
0x28: {  	s1 =	simm.s32 @!p0 $0x3D  }
0x29: {  	_ =	swait.ge @!p0 [sflag:s1], $0x10  }
0x2a: {  	[sflag:s1] =	ssyncset.done @!p0 $0x0  }
0x2b: {  	[sflag:s1] =	ssyncadd.s32 @!p0 $0xFFFFFFF0  }
0x2c: {  	[sflag:s1] =	ssyncpa.u1 @!p0 $0x1  }
0x2d: {  	[bflag:$0x0] =	sbarrier.arrive @!p0 $0xFFFF  }
0x2e: {  	_ =	strace @!p0 $0x90000047  }
0x2f: {  	s0 =	sadd.s32 @!p0 $0x100000, s0;
	[bflag:$0x2] =	sbarrier.arrive @!p0 $0xFFFF  }
0x30: {  	[sflag:s0] =	ssyncadd.tile.s32 @!p0 $0x1;
	_ =	shalt  }
.Lfunc_end2:
_tile_overlayer_lowered:
.L_overlay_start_2:
0x31: {  	(tag) =	ssettag $0x2  }
0x32: {  	s0 =	rddreg [dreg:$0x0];
	s2 =	stileid.u32  }
0x33: {  	s1 =	rddreg [dreg:$0x1];
	p0 =	sne.s32 s2, $0x0  }
0x34: {  	s3 =	rddreg [dreg:$0x2];
	[bflag:$0x3] =	sbarrier.arrive $0xFFFF;
	s2 =	simm.s32 @!p0 $0x1C01  }
0x35: {  	[timem:s3], [sflag:s2] =	dma.local @!p0 [hbm:s0], s1  }
0x36: {  	s0 =	simm.s32 @!p0 $0x1  }
0x37: {  	_ =	swait.ge @!p0 [sflag:s0], s1  }
0x38: {  	s1 =	ssub.s32 @!p0 $0x0, s1;
	[sflag:s0] =	ssyncset.done @!p0 $0x0  }
0x39: {  	[sflag:s0] =	ssyncadd.s32 @!p0 s1  }
0x3a: {  	[bflag:$0x3] =	sbarrier.arrive $0xFFFF  }
0x3b: {  	_ =	shalt  }

</sc_bundles>
